<compile_context>
chip_gen: v7x
topology: tpu7x:2x2x1
jax: 0.10.2.dev20260603
libtpu: 0.0.44.dev20260713+nightly
codegen_flags: <defaults>
</compile_context>

<pallas_src>
import functools

import jax
import jax.numpy as jnp
from jax import lax
from jax.experimental import pallas as pl
from jax.experimental.pallas import tpu as pltpu
from jax.experimental.pallas import tpu_sc as plsc

NW = 32
LANES = 16
CHUNK = 8192


def _sc_hist_kernel(llen, n):
    per_w = n // NW
    n_chunks = per_w // CHUNK
    half = llen // 2
    mesh = plsc.VectorSubcoreMesh(core_axis_name="c", subcore_axis_name="s")

    @functools.partial(
        pl.kernel,
        out_type=jax.ShapeDtypeStruct((NW, half), jnp.int32),
        mesh=mesh,
        compiler_params=pltpu.CompilerParams(needs_layout_passes=False),
        scratch_types=[
            pltpu.VMEM((llen,), jnp.int32),
            pltpu.VMEM((half,), jnp.int32),
            pltpu.VMEM((CHUNK,), jnp.int32),
            pltpu.VMEM((CHUNK,), jnp.int32),
            pltpu.SemaphoreType.DMA,
            pltpu.SemaphoreType.DMA,
            pltpu.SemaphoreType.DMA,
        ],
    )
    def sc_hist(label_hbm, gd_hbm, out_hbm, gd_v, hist_v, lab0_v, lab1_v,
                gsem, sem0, sem1):
        wid = lax.axis_index("c") * 16 + lax.axis_index("s")
        bufs = (lab0_v, lab1_v)
        sems = (sem0, sem1)

        def start(c):
            base = wid * per_w + c * CHUNK
            return pltpu.async_copy(
                label_hbm.at[pl.ds(base, CHUNK)], bufs[c % 2], sems[c % 2])

        gcopy = pltpu.async_copy(gd_hbm, gd_v, gsem)
        handles = {0: start(0)}
        if n_chunks > 1:
            handles[1] = start(1)

        zero = jnp.zeros((LANES,), jnp.int32)

        @plsc.parallel_loop(0, half, LANES, unroll=16)
        def zbody(i):
            hist_v[pl.ds(i, LANES)] = zero

        gcopy.wait()
        one = jnp.full((LANES,), 1, jnp.int32)
        hi_one = jnp.full((LANES,), 1 << 16, jnp.int32)

        for c in range(n_chunks):
            handles[c].wait()
            lab_v = bufs[c % 2]

            @plsc.parallel_loop(0, CHUNK, LANES, unroll=8)
            def gbody(i):
                lab = lab_v[pl.ds(i, LANES)]
                mapped = plsc.load_gather(gd_v, [lab])
                word = mapped & 0x7FFF
                inc = jnp.where(mapped < half, one, hi_one)
                plsc.addupdate_scatter(hist_v, [word], inc)

            if c + 2 < n_chunks:
                handles[c + 2] = start(c + 2)

        pltpu.sync_copy(hist_v, out_hbm.at[wid])

    return sc_hist


def _tc_reduce_kernel(llen, n_f):
    BLK = 16384
    half = llen // 2
    grid = half // BLK

    def body(total_ref, part_ref, cnts_lo_ref, cnts_hi_ref, lo_ref, hi_ref):
        tot = total_ref[0, 0] + n_f
        p = part_ref[...]
        s_lo = jnp.sum(p & 0xFFFF, axis=0).astype(jnp.float32)
        s_hi = jnp.sum(lax.shift_right_logical(p, 16), axis=0).astype(jnp.float32)
        lo_ref[...] = jnp.maximum((s_lo + cnts_lo_ref[...]) / tot, 0.01)
        hi_ref[...] = jnp.maximum((s_hi + cnts_hi_ref[...]) / tot, 0.01)

    return pl.pallas_call(
        body,
        grid=(grid,),
        in_specs=[
            pl.BlockSpec(memory_space=pltpu.SMEM),
            pl.BlockSpec((NW, BLK), lambda i: (0, i)),
            pl.BlockSpec((BLK,), lambda i: (i,)),
            pl.BlockSpec((BLK,), lambda i: (i + grid,)),
        ],
        out_specs=[
            pl.BlockSpec((BLK,), lambda i: (i,)),
            pl.BlockSpec((BLK,), lambda i: (i,)),
        ],
        out_shape=[
            jax.ShapeDtypeStruct((half,), jnp.float32),
            jax.ShapeDtypeStruct((half,), jnp.float32),
        ],
    )


def kernel(gdict, flatten_label, llen, cnts, total):
    llen_static = gdict.shape[0]
    n = flatten_label.shape[0]

    partials = _sc_hist_kernel(llen_static, n)(
        flatten_label, gdict.astype(jnp.int32))

    total2d = jnp.reshape(total.astype(jnp.float32), (1, 1))
    lo, hi = _tc_reduce_kernel(llen_static, float(n))(
        total2d, partials, cnts, cnts)
    return jnp.concatenate([lo, hi])

# --- scband reference (transcript-rebuilt; emitter-appended) ---
"""Pipeline reference for scband-neko-pystat-20100446945756 (READ-ONLY COPY).

The authoritative reference and input builder live on the scoring server;
editing this copy changes nothing except your own understanding.
"""

import jax, jax.numpy as jnp
import numpy as np


def setup_inputs(seed: int = 0) -> dict:
    key = jax.random.key(seed)
    llen = 65536
    N = 1048576
    max_capacity = 900000
    gdict = jnp.arange(llen, dtype=jnp.int32)
    flatten_label = jax.random.randint(jax.random.fold_in(key, 1), (N,), 0, llen, dtype=jnp.int32)
    # learned (buffer) parameters sized per init_kwargs
    cnts = jnp.zeros((max_capacity,), dtype=jnp.float32)
    total = jnp.asarray(1e-09, dtype=jnp.float32)
    return {"gdict": gdict, "flatten_label": flatten_label, "llen": llen, "cnts": cnts, "total": total}


def reference(gdict, flatten_label, llen, cnts, total):
    # forward_train path (training=True, total < 16777009):
    # each label is mapped through gdict to a char id; cdict assigns cnts slots by
    # first appearance and the same cdict is used to read counts back in forward_eval,
    # so the slot permutation cancels: ret[i] == count of char gdict[i] plus the
    # initial cnts contribution. cnts starts at zero, so identity slot layout is exact.
    llen_static = gdict.shape[0]
    mapped = jnp.take(gdict, flatten_label)  # gather: label -> char id
    char_counts = jnp.zeros((llen_static,), dtype=cnts.dtype).at[mapped].add(1.0)  # scatter-add histogram
    tot = total + jnp.asarray(flatten_label.shape[0], dtype=cnts.dtype)  # total += 1 per element
    ret = cnts[:llen_static] + char_counts + jnp.asarray(llen, dtype=cnts.dtype) * jnp.zeros((), dtype=cnts.dtype)
    # torch.clip(ret / total, 0.01) clips the minimum only
    return jnp.clip(ret / tot, 0.01)

if __name__ == "__main__":
    import jax
    _d = setup_inputs()
    print(jax.jit(kernel)(*tuple(_d.values())))

</pallas_src>

<mosaic_0001>
#map = affine_map<(d0, d1) -> (0)>
#map1 = affine_map<(d0, d1) -> (0, 0)>
module attributes {stable_mosaic.version = 14 : i64} {
  func.func @sc_hist(%arg0: i32, %arg1: i32, %arg2: memref<1048576xi32, #tpu.memory_space<hbm>>, %arg3: memref<65536xi32, #tpu.memory_space<hbm>>, %arg4: memref<32x32768xi32, #tpu.memory_space<hbm>>, %arg5: memref<65536xi32, #tpu.memory_space<vmem>>, %arg6: memref<32768xi32, #tpu.memory_space<vmem>>, %arg7: memref<8192xi32, #tpu.memory_space<vmem>>, %arg8: memref<8192xi32, #tpu.memory_space<vmem>>, %arg9: memref<!tpu.dma_semaphore, #tpu.memory_space<semaphore_mem>>, %arg10: memref<!tpu.dma_semaphore, #tpu.memory_space<semaphore_mem>>, %arg11: memref<!tpu.dma_semaphore, #tpu.memory_space<semaphore_mem>>) attributes {dimension_semantics = [#tpu.dimension_semantics<core_parallel>, #tpu.dimension_semantics<subcore_parallel>], iteration_bounds = array<i64: 2, 16>, scalar_prefetch = 0 : i64, scratch_operands = 7 : i64, tpu.core_type = #tpu.core_type<sc_vector_subcore>, window_params = [{transform_indices = #map}, {transform_indices = #map}, {transform_indices = #map1}]} {
    %mul3A = arith.constant 16 : i32
    %mul3A_0 = arith.muli %arg0, %mul3A : i32
    %add3A = arith.addi %mul3A_0, %arg1 : i32
    tpu.enqueue_dma source(%arg3 : memref<65536xi32, #tpu.memory_space<hbm>>) target(%arg5 : memref<65536xi32, #tpu.memory_space<vmem>>) target_semaphore(%arg9 : memref<!tpu.dma_semaphore, #tpu.memory_space<semaphore_mem>>)
    %mul3A_1 = arith.constant 32768 : i32
    %mul3A_2 = arith.muli %add3A, %mul3A_1 : i32
    %add3A_3 = arith.constant 0 : i32
    %add3A_4 = arith.addi %mul3A_2, %add3A_3 : i32
    %dma_start3A = tpu.memref_slice %arg2[%add3A_4] : memref<1048576xi32, #tpu.memory_space<hbm>> -> memref<8192xi32, #tpu.memory_space<hbm>>
    %dma_start3A_5 = tpu.memref_slice %arg2[%add3A_4] : memref<1048576xi32, #tpu.memory_space<hbm>> -> memref<8192xi32, #tpu.memory_space<hbm>>
    tpu.enqueue_dma source(%dma_start3A_5 : memref<8192xi32, #tpu.memory_space<hbm>>) target(%arg7 : memref<8192xi32, #tpu.memory_space<vmem>>) target_semaphore(%arg10 : memref<!tpu.dma_semaphore, #tpu.memory_space<semaphore_mem>>)
    %mul3A_6 = arith.constant 32768 : i32
    %mul3A_7 = arith.muli %add3A, %mul3A_6 : i32
    %add3A_8 = arith.constant 8192 : i32
    %add3A_9 = arith.addi %mul3A_7, %add3A_8 : i32
    %dma_start3A_10 = tpu.memref_slice %arg2[%add3A_9] : memref<1048576xi32, #tpu.memory_space<hbm>> -> memref<8192xi32, #tpu.memory_space<hbm>>
    %dma_start3A_11 = tpu.memref_slice %arg2[%add3A_9] : memref<1048576xi32, #tpu.memory_space<hbm>> -> memref<8192xi32, #tpu.memory_space<hbm>>
    tpu.enqueue_dma source(%dma_start3A_11 : memref<8192xi32, #tpu.memory_space<hbm>>) target(%arg8 : memref<8192xi32, #tpu.memory_space<vmem>>) target_semaphore(%arg11 : memref<!tpu.dma_semaphore, #tpu.memory_space<semaphore_mem>>)
    %broadcast_in_dim3A = arith.constant 0 : i32
    %broadcast_in_dim3A_12 = vector.broadcast %broadcast_in_dim3A : i32 to vector<16xi32>
    %parallel_loop3A = arith.constant 0 : i32
    %parallel_loop3A_13 = arith.constant 32768 : i32
    %parallel_loop3A_14 = arith.constant 16 : i32
    scf.for %parallel_loop3A_50 = %parallel_loop3A to %parallel_loop3A_13 step %parallel_loop3A_14  : i32 {
      %parallel_loop3A_51 = arith.index_cast %parallel_loop3A_50 : i32 to index
      %parallel_loop3A_52 = tpu.vector_load %arg6[%parallel_loop3A_51] {strides = array<i32>} : memref<32768xi32, #tpu.memory_space<vmem>>, vector<16xi32>,
      tpu.vector_store %arg6[%parallel_loop3A_51], %broadcast_in_dim3A_12 {strides = array<i32>} : memref<32768xi32, #tpu.memory_space<vmem>>, vector<16xi32>,
    } {sc.loop_unroll_factor = 16 : i64, sc.parallel_access}
    tpu.wait_dma2 semaphore(%arg9 : memref<!tpu.dma_semaphore, #tpu.memory_space<semaphore_mem>>) src(%arg3 : memref<65536xi32, #tpu.memory_space<hbm>>) dst(%arg5 : memref<65536xi32, #tpu.memory_space<vmem>>)
    %broadcast_in_dim3A_15 = arith.constant 1 : i32
    %broadcast_in_dim3A_16 = vector.broadcast %broadcast_in_dim3A_15 : i32 to vector<16xi32>
    %broadcast_in_dim3A_17 = arith.constant 65536 : i32
    %broadcast_in_dim3A_18 = vector.broadcast %broadcast_in_dim3A_17 : i32 to vector<16xi32>
    %dma_wait3A = tpu.memref_slice %arg2[%add3A_4] : memref<1048576xi32, #tpu.memory_space<hbm>> -> memref<8192xi32, #tpu.memory_space<hbm>>
    %dma_wait3A_19 = tpu.memref_slice %arg2[%add3A_4] : memref<1048576xi32, #tpu.memory_space<hbm>> -> memref<8192xi32, #tpu.memory_space<hbm>>
    tpu.wait_dma2 semaphore(%arg10 : memref<!tpu.dma_semaphore, #tpu.memory_space<semaphore_mem>>) src(%dma_wait3A_19 : memref<8192xi32, #tpu.memory_space<hbm>>) dst(%arg7 : memref<8192xi32, #tpu.memory_space<vmem>>)
    %parallel_loop3A_20 = arith.constant 0 : i32
    %parallel_loop3A_21 = arith.constant 8192 : i32
    %parallel_loop3A_22 = arith.constant 16 : i32
    scf.for %parallel_loop3A_50 = %parallel_loop3A_20 to %parallel_loop3A_21 step %parallel_loop3A_22  : i32 {
      %parallel_loop3A_51 = arith.index_cast %parallel_loop3A_50 : i32 to index
      %parallel_loop3A_52 = tpu.vector_load %arg7[%parallel_loop3A_51] {strides = array<i32>} : memref<8192xi32, #tpu.memory_space<vmem>>, vector<16xi32>,
      %parallel_loop3A_53 = tpu.vector_load_idx %arg5[%parallel_loop3A_52] : memref<65536xi32, #tpu.memory_space<vmem>>[vector<16xi32>], vector<16xi32>,
      %parallel_loop3A_54 = arith.constant 32767 : i32
      %parallel_loop3A_55 = vector.broadcast %parallel_loop3A_54 : i32 to vector<16xi32>
      %parallel_loop3A_56 = arith.andi %parallel_loop3A_53, %parallel_loop3A_55 : vector<16xi32>
      %parallel_loop3A_57 = arith.constant 32768 : i32
      %parallel_loop3A_58 = vector.broadcast %parallel_loop3A_57 : i32 to vector<16xi32>
      %parallel_loop3A_59 = arith.cmpi slt, %parallel_loop3A_53, %parallel_loop3A_58 : vector<16xi32>
      %parallel_loop3A_60 = arith.select %parallel_loop3A_59, %broadcast_in_dim3A_16, %broadcast_in_dim3A_18 : vector<16xi1>, vector<16xi32>
      tpu.vector_store_idx %arg6[%parallel_loop3A_56], %parallel_loop3A_60 {add = true} : memref<32768xi32, #tpu.memory_space<vmem>>[vector<16xi32>], vector<16xi32>,
    } {sc.loop_unroll_factor = 8 : i64, sc.parallel_access}
    %mul3A_23 = arith.constant 32768 : i32
    %mul3A_24 = arith.muli %add3A, %mul3A_23 : i32
    %add3A_25 = arith.constant 16384 : i32
    %add3A_26 = arith.addi %mul3A_24, %add3A_25 : i32
    %dma_start3A_27 = tpu.memref_slice %arg2[%add3A_26] : memref<1048576xi32, #tpu.memory_space<hbm>> -> memref<8192xi32, #tpu.memory_space<hbm>>
    %dma_start3A_28 = tpu.memref_slice %arg2[%add3A_26] : memref<1048576xi32, #tpu.memory_space<hbm>> -> memref<8192xi32, #tpu.memory_space<hbm>>
    tpu.enqueue_dma source(%dma_start3A_28 : memref<8192xi32, #tpu.memory_space<hbm>>) target(%arg7 : memref<8192xi32, #tpu.memory_space<vmem>>) target_semaphore(%arg10 : memref<!tpu.dma_semaphore, #tpu.memory_space<semaphore_mem>>)
    %dma_wait3A_29 = tpu.memref_slice %arg2[%add3A_9] : memref<1048576xi32, #tpu.memory_space<hbm>> -> memref<8192xi32, #tpu.memory_space<hbm>>
    %dma_wait3A_30 = tpu.memref_slice %arg2[%add3A_9] : memref<1048576xi32, #tpu.memory_space<hbm>> -> memref<8192xi32, #tpu.memory_space<hbm>>
    tpu.wait_dma2 semaphore(%arg11 : memref<!tpu.dma_semaphore, #tpu.memory_space<semaphore_mem>>) src(%dma_wait3A_30 : memref<8192xi32, #tpu.memory_space<hbm>>) dst(%arg8 : memref<8192xi32, #tpu.memory_space<vmem>>)
    %parallel_loop3A_31 = arith.constant 0 : i32
    %parallel_loop3A_32 = arith.constant 8192 : i32
    %parallel_loop3A_33 = arith.constant 16 : i32
    scf.for %parallel_loop3A_50 = %parallel_loop3A_31 to %parallel_loop3A_32 step %parallel_loop3A_33  : i32 {
      %parallel_loop3A_51 = arith.index_cast %parallel_loop3A_50 : i32 to index
      %parallel_loop3A_52 = tpu.vector_load %arg8[%parallel_loop3A_51] {strides = array<i32>} : memref<8192xi32, #tpu.memory_space<vmem>>, vector<16xi32>,
      %parallel_loop3A_53 = tpu.vector_load_idx %arg5[%parallel_loop3A_52] : memref<65536xi32, #tpu.memory_space<vmem>>[vector<16xi32>], vector<16xi32>,
      %parallel_loop3A_54 = arith.constant 32767 : i32
      %parallel_loop3A_55 = vector.broadcast %parallel_loop3A_54 : i32 to vector<16xi32>
      %parallel_loop3A_56 = arith.andi %parallel_loop3A_53, %parallel_loop3A_55 : vector<16xi32>
      %parallel_loop3A_57 = arith.constant 32768 : i32
      %parallel_loop3A_58 = vector.broadcast %parallel_loop3A_57 : i32 to vector<16xi32>
      %parallel_loop3A_59 = arith.cmpi slt, %parallel_loop3A_53, %parallel_loop3A_58 : vector<16xi32>
      %parallel_loop3A_60 = arith.select %parallel_loop3A_59, %broadcast_in_dim3A_16, %broadcast_in_dim3A_18 : vector<16xi1>, vector<16xi32>
      tpu.vector_store_idx %arg6[%parallel_loop3A_56], %parallel_loop3A_60 {add = true} : memref<32768xi32, #tpu.memory_space<vmem>>[vector<16xi32>], vector<16xi32>,
    } {sc.loop_unroll_factor = 8 : i64, sc.parallel_access}
    %mul3A_34 = arith.constant 32768 : i32
    %mul3A_35 = arith.muli %add3A, %mul3A_34 : i32
    %add3A_36 = arith.constant 24576 : i32
    %add3A_37 = arith.addi %mul3A_35, %add3A_36 : i32
    %dma_start3A_38 = tpu.memref_slice %arg2[%add3A_37] : memref<1048576xi32, #tpu.memory_space<hbm>> -> memref<8192xi32, #tpu.memory_space<hbm>>
    %dma_start3A_39 = tpu.memref_slice %arg2[%add3A_37] : memref<1048576xi32, #tpu.memory_space<hbm>> -> memref<8192xi32, #tpu.memory_space<hbm>>
    tpu.enqueue_dma source(%dma_start3A_39 : memref<8192xi32, #tpu.memory_space<hbm>>) target(%arg8 : memref<8192xi32, #tpu.memory_space<vmem>>) target_semaphore(%arg11 : memref<!tpu.dma_semaphore, #tpu.memory_space<semaphore_mem>>)
    %dma_wait3A_40 = tpu.memref_slice %arg2[%add3A_26] : memref<1048576xi32, #tpu.memory_space<hbm>> -> memref<8192xi32, #tpu.memory_space<hbm>>
    %dma_wait3A_41 = tpu.memref_slice %arg2[%add3A_26] : memref<1048576xi32, #tpu.memory_space<hbm>> -> memref<8192xi32, #tpu.memory_space<hbm>>
    tpu.wait_dma2 semaphore(%arg10 : memref<!tpu.dma_semaphore, #tpu.memory_space<semaphore_mem>>) src(%dma_wait3A_41 : memref<8192xi32, #tpu.memory_space<hbm>>) dst(%arg7 : memref<8192xi32, #tpu.memory_space<vmem>>)
    %parallel_loop3A_42 = arith.constant 0 : i32
    %parallel_loop3A_43 = arith.constant 8192 : i32
    %parallel_loop3A_44 = arith.constant 16 : i32
    scf.for %parallel_loop3A_50 = %parallel_loop3A_42 to %parallel_loop3A_43 step %parallel_loop3A_44  : i32 {
      %parallel_loop3A_51 = arith.index_cast %parallel_loop3A_50 : i32 to index
      %parallel_loop3A_52 = tpu.vector_load %arg7[%parallel_loop3A_51] {strides = array<i32>} : memref<8192xi32, #tpu.memory_space<vmem>>, vector<16xi32>,
      %parallel_loop3A_53 = tpu.vector_load_idx %arg5[%parallel_loop3A_52] : memref<65536xi32, #tpu.memory_space<vmem>>[vector<16xi32>], vector<16xi32>,
      %parallel_loop3A_54 = arith.constant 32767 : i32
      %parallel_loop3A_55 = vector.broadcast %parallel_loop3A_54 : i32 to vector<16xi32>
      %parallel_loop3A_56 = arith.andi %parallel_loop3A_53, %parallel_loop3A_55 : vector<16xi32>
      %parallel_loop3A_57 = arith.constant 32768 : i32
      %parallel_loop3A_58 = vector.broadcast %parallel_loop3A_57 : i32 to vector<16xi32>
      %parallel_loop3A_59 = arith.cmpi slt, %parallel_loop3A_53, %parallel_loop3A_58 : vector<16xi32>
      %parallel_loop3A_60 = arith.select %parallel_loop3A_59, %broadcast_in_dim3A_16, %broadcast_in_dim3A_18 : vector<16xi1>, vector<16xi32>
      tpu.vector_store_idx %arg6[%parallel_loop3A_56], %parallel_loop3A_60 {add = true} : memref<32768xi32, #tpu.memory_space<vmem>>[vector<16xi32>], vector<16xi32>,
    } {sc.loop_unroll_factor = 8 : i64, sc.parallel_access}
    %dma_wait3A_45 = tpu.memref_slice %arg2[%add3A_37] : memref<1048576xi32, #tpu.memory_space<hbm>> -> memref<8192xi32, #tpu.memory_space<hbm>>
    %dma_wait3A_46 = tpu.memref_slice %arg2[%add3A_37] : memref<1048576xi32, #tpu.memory_space<hbm>> -> memref<8192xi32, #tpu.memory_space<hbm>>
    tpu.wait_dma2 semaphore(%arg11 : memref<!tpu.dma_semaphore, #tpu.memory_space<semaphore_mem>>) src(%dma_wait3A_46 : memref<8192xi32, #tpu.memory_space<hbm>>) dst(%arg8 : memref<8192xi32, #tpu.memory_space<vmem>>)
    %parallel_loop3A_47 = arith.constant 0 : i32
    %parallel_loop3A_48 = arith.constant 8192 : i32
    %parallel_loop3A_49 = arith.constant 16 : i32
    scf.for %parallel_loop3A_50 = %parallel_loop3A_47 to %parallel_loop3A_48 step %parallel_loop3A_49  : i32 {
      %parallel_loop3A_51 = arith.index_cast %parallel_loop3A_50 : i32 to index
      %parallel_loop3A_52 = tpu.vector_load %arg8[%parallel_loop3A_51] {strides = array<i32>} : memref<8192xi32, #tpu.memory_space<vmem>>, vector<16xi32>,
      %parallel_loop3A_53 = tpu.vector_load_idx %arg5[%parallel_loop3A_52] : memref<65536xi32, #tpu.memory_space<vmem>>[vector<16xi32>], vector<16xi32>,
      %parallel_loop3A_54 = arith.constant 32767 : i32
      %parallel_loop3A_55 = vector.broadcast %parallel_loop3A_54 : i32 to vector<16xi32>
      %parallel_loop3A_56 = arith.andi %parallel_loop3A_53, %parallel_loop3A_55 : vector<16xi32>
      %parallel_loop3A_57 = arith.constant 32768 : i32
      %parallel_loop3A_58 = vector.broadcast %parallel_loop3A_57 : i32 to vector<16xi32>
      %parallel_loop3A_59 = arith.cmpi slt, %parallel_loop3A_53, %parallel_loop3A_58 : vector<16xi32>
      %parallel_loop3A_60 = arith.select %parallel_loop3A_59, %broadcast_in_dim3A_16, %broadcast_in_dim3A_18 : vector<16xi1>, vector<16xi32>
      tpu.vector_store_idx %arg6[%parallel_loop3A_56], %parallel_loop3A_60 {add = true} : memref<32768xi32, #tpu.memory_space<vmem>>[vector<16xi32>], vector<16xi32>,
    } {sc.loop_unroll_factor = 8 : i64, sc.parallel_access}
    "tpu.region"() ({
      %run_scoped3A = tpu.sem_alloc : memref<!tpu.dma_semaphore, #tpu.memory_space<semaphore_mem>>
      %dma_start3A_50 = arith.constant 0 : i32
      %dma_start3A_51 = tpu.memref_slice %arg4[%add3A, %dma_start3A_50] : memref<32x32768xi32, #tpu.memory_space<hbm>> -> memref<1x32768xi32, #tpu.memory_space<hbm>>
      %dma_start3A_52 = tpu.memref_squeeze %dma_start3A_51 : memref<1x32768xi32, #tpu.memory_space<hbm>> -> memref<32768xi32, #tpu.memory_space<hbm>>
      %dma_start3A_53 = arith.constant 0 : i32
      %dma_start3A_54 = tpu.memref_slice %arg4[%add3A, %dma_start3A_53] : memref<32x32768xi32, #tpu.memory_space<hbm>> -> memref<1x32768xi32, #tpu.memory_space<hbm>>
      %dma_start3A_55 = tpu.memref_squeeze %dma_start3A_54 : memref<1x32768xi32, #tpu.memory_space<hbm>> -> memref<32768xi32, #tpu.memory_space<hbm>>
      tpu.enqueue_dma source(%arg6 : memref<32768xi32, #tpu.memory_space<vmem>>) target(%dma_start3A_55 : memref<32768xi32, #tpu.memory_space<hbm>>) target_semaphore(%run_scoped3A : memref<!tpu.dma_semaphore, #tpu.memory_space<semaphore_mem>>)
      %dma_wait3A_56 = arith.constant 0 : i32
      %dma_wait3A_57 = tpu.memref_slice %arg4[%add3A, %dma_wait3A_56] : memref<32x32768xi32, #tpu.memory_space<hbm>> -> memref<1x32768xi32, #tpu.memory_space<hbm>>
      %dma_wait3A_58 = tpu.memref_squeeze %dma_wait3A_57 : memref<1x32768xi32, #tpu.memory_space<hbm>> -> memref<32768xi32, #tpu.memory_space<hbm>>
      %dma_wait3A_59 = arith.constant 0 : i32
      %dma_wait3A_60 = tpu.memref_slice %arg4[%add3A, %dma_wait3A_59] : memref<32x32768xi32, #tpu.memory_space<hbm>> -> memref<1x32768xi32, #tpu.memory_space<hbm>>
      %dma_wait3A_61 = tpu.memref_squeeze %dma_wait3A_60 : memref<1x32768xi32, #tpu.memory_space<hbm>> -> memref<32768xi32, #tpu.memory_space<hbm>>
      tpu.wait_dma2 semaphore(%run_scoped3A : memref<!tpu.dma_semaphore, #tpu.memory_space<semaphore_mem>>) src(%arg6 : memref<32768xi32, #tpu.memory_space<vmem>>) dst(%dma_wait3A_61 : memref<32768xi32, #tpu.memory_space<hbm>>)
      tpu.yield
    }) : () -> ()
    return
  }
}

module attributes {stable_mosaic.version = 14 : i64} {
  func.func @body(%arg0: i32, %arg1: memref<1x1xf32, #tpu.memory_space<smem>>, %arg2: memref<32x16384xi32, #tpu.memory_space<vmem>>, %arg3: memref<16384xf32, #tpu.memory_space<vmem>>, %arg4: memref<16384xf32, #tpu.memory_space<vmem>>, %arg5: memref<16384xf32, #tpu.memory_space<vmem>>, %arg6: memref<16384xf32, #tpu.memory_space<vmem>>) attributes {dimension_semantics = [#tpu.dimension_semantics<arbitrary>], iteration_bounds = array<i64: 2>, scalar_prefetch = 0 : i64, scratch_operands = 0 : i64, tpu.core_type = #tpu.core_type<tc>, window_params = [{transform_indices = @transform_0, window_bounds = array<i64: 1, 1>}, {transform_indices = @transform_1, window_bounds = array<i64: 32, 16384>}, {transform_indices = @transform_2, window_bounds = array<i64: 16384>}, {transform_indices = @transform_3, window_bounds = array<i64: 16384>}, {transform_indices = @transform_4, window_bounds = array<i64: 16384>}, {transform_indices = @transform_5, window_bounds = array<i64: 16384>}]} {
    %get3A = arith.constant 0 : index
    %get3A_0 = arith.constant 0 : index
    %get3A_1 = memref.load %arg1[%get3A, %get3A_0] : memref<1x1xf32, #tpu.memory_space<smem>>
    %add3A = arith.constant 0x49800000 : f32
    %add3A_2 = arith.addf %get3A_1, %add3A : f32
    %get3A_3 = arith.constant 0 : index
    %get3A_4 = arith.constant 0 : index
    %get3A_5 = vector.load %arg2[%get3A_3, %get3A_4] : memref<32x16384xi32, #tpu.memory_space<vmem>>, vector<32x16384xi32>
    %and3A = arith.constant 65535 : i32
    %and3A_6 = vector.broadcast %and3A : i32 to vector<32x16384xi32>
    %and3A_7 = arith.andi %get3A_5, %and3A_6 : vector<32x16384xi32>
    %reduce_sum3A = arith.constant dense<0> : vector<16384xi32>
    %reduce_sum3A_8 = vector.multi_reduction <add>, %and3A_7, %reduce_sum3A [0] : vector<32x16384xi32> to vector<16384xi32>
    %convert_element_type3A = arith.sitofp %reduce_sum3A_8 : vector<16384xi32> to vector<16384xf32>
    %shift_right_logical3A = arith.constant 16 : i32
    %shift_right_logical3A_9 = vector.broadcast %shift_right_logical3A : i32 to vector<32x16384xi32>
    %shift_right_logical3A_10 = arith.shrui %get3A_5, %shift_right_logical3A_9 : vector<32x16384xi32>
    %reduce_sum3A_11 = arith.constant dense<0> : vector<16384xi32>
    %reduce_sum3A_12 = vector.multi_reduction <add>, %shift_right_logical3A_10, %reduce_sum3A_11 [0] : vector<32x16384xi32> to vector<16384xi32>
    %convert_element_type3A_13 = arith.sitofp %reduce_sum3A_12 : vector<16384xi32> to vector<16384xf32>
    %get3A_14 = arith.constant 0 : index
    %get3A_15 = vector.load %arg3[%get3A_14] : memref<16384xf32, #tpu.memory_space<vmem>>, vector<16384xf32>
    %add3A_16 = arith.addf %convert_element_type3A, %get3A_15 : vector<16384xf32>
    %div3A = vector.broadcast %add3A_2 : f32 to vector<16384xf32>
    %div3A_17 = arith.divf %add3A_16, %div3A : vector<16384xf32>
    %max3A = arith.constant 0.00999999977 : f32
    %max3A_18 = vector.broadcast %max3A : f32 to vector<16384xf32>
    %max3A_19 = arith.maximumf %div3A_17, %max3A_18 : vector<16384xf32>
    %swap3A = arith.constant 0 : index
    %swap3A_20 = vector.load %arg5[%swap3A] : memref<16384xf32, #tpu.memory_space<vmem>>, vector<16384xf32>
    tpu.vector_store %arg5[%swap3A], %max3A_19 {strides = array<i32>} : memref<16384xf32, #tpu.memory_space<vmem>>, vector<16384xf32>,
    %get3A_21 = arith.constant 0 : index
    %get3A_22 = vector.load %arg4[%get3A_21] : memref<16384xf32, #tpu.memory_space<vmem>>, vector<16384xf32>
    %add3A_23 = arith.addf %convert_element_type3A_13, %get3A_22 : vector<16384xf32>
    %div3A_24 = vector.broadcast %add3A_2 : f32 to vector<16384xf32>
    %div3A_25 = arith.divf %add3A_23, %div3A_24 : vector<16384xf32>
    %max3A_26 = arith.constant 0.00999999977 : f32
    %max3A_27 = vector.broadcast %max3A_26 : f32 to vector<16384xf32>
    %max3A_28 = arith.maximumf %div3A_25, %max3A_27 : vector<16384xf32>
    %swap3A_29 = arith.constant 0 : index
    %swap3A_30 = vector.load %arg6[%swap3A_29] : memref<16384xf32, #tpu.memory_space<vmem>>, vector<16384xf32>
    tpu.vector_store %arg6[%swap3A_29], %max3A_28 {strides = array<i32>} : memref<16384xf32, #tpu.memory_space<vmem>>, vector<16384xf32>,
    return
  }
  func.func @transform_0(%arg0: i32) -> (i32, i32) {
    %c0_i32 = arith.constant 0 : i32
    %c0_i32_0 = arith.constant 0 : i32
    %c0_i32_1 = arith.constant 0 : i32
    return %c0_i32, %c0_i32_0 : i32, i32
  }
  func.func @transform_1(%arg0: i32) -> (i32, i32) {
    %c0_i32 = arith.constant 0 : i32
    %c0_i32_0 = arith.constant 0 : i32
    return %c0_i32, %arg0 : i32, i32
  }
  func.func @transform_2(%arg0: i32) -> i32 {
    %c0_i32 = arith.constant 0 : i32
    return %arg0 : i32
  }
  func.func @transform_3(%arg0: i32) -> i32 {
    %add3A = arith.constant 2 : i32
    %add3A_0 = arith.addi %arg0, %add3A : i32
    %c0_i32 = arith.constant 0 : i32
    return %add3A_0 : i32
  }
  func.func @transform_4(%arg0: i32) -> i32 {
    %c0_i32 = arith.constant 0 : i32
    return %arg0 : i32
  }
  func.func @transform_5(%arg0: i32) -> i32 {
    %c0_i32 = arith.constant 0 : i32
    return %arg0 : i32
  }
}

</mosaic_0001>

<sc_bundles>
// kernel: kernel.4.cloned.1.call-start
scs
__scs_entry_jumppad:
0x0: {  	(pc) =	sbr.rel $0x88, $3  }
0x1: {  	(tag) =	ssettag $0x0;
	lr =	simm.s32 $0x1  }
0x2: {  	[smem:$0x3F9D] =	sst lr;
	_ =	strace $0xD0000000  }
0x3: {  	_ = 	snop  }
0x4: {  	_ = 	snop  }
0x5: {  	_ = 	snop  }
0x6: {  	_ = 	snop  }
0x7: {  	_ = 	snop  }
__scs_overlays_trampoline_lowered:
0x8: {  	[smem:$0x3FAC] =	sst s0  }
0x9: {  	[smem:$0x3FAD] =	sst s1  }
0xa: {  	[smem:$0x3FAE] =	sst s2  }
0xb: {  	[smem:$0x3FAF] =	sst s3  }
0xc: {  	[smem:$0x3FB0] =	sst s4  }
0xd: {  	[smem:$0x3FB1] =	sst s5  }
0xe: {  	[smem:$0x3FB2] =	sst s6  }
0xf: {  	[smem:$0x3FB3] =	sst s7  }
0x10: {  	[smem:$0x3FB4] =	sst s8  }
0x11: {  	[smem:$0x3FB5] =	sst s9;
	s0 =	simm.s32 @!p0 $0x0  }
0x12: {  	s1 =	sld [smem:$0x3F9B];
	s0 =	simm.s32 @p0 $0x1  }
0x13: {  	[smem:$0x3FB6] =	sst s0;
	s0 =	simm.s32 @!p1 $0x0  }
0x14: {  	s2 =	sld [smem:$0x3F9A];
	s0 =	simm.s32 @p1 $0x1  }
0x15: {  	[smem:$0x3FB7] =	sst s0;
	s0 =	simm.s32 @!p2 $0x0  }
0x16: {  	s3 =	sld [smem:$0x3FDB];
	s0 =	simm.s32 @p2 $0x1  }
0x17: {  	s4 =	simm.s32 $0x1BF5;
	[smem:$0x3FB9] =	sst s0  }
0x18: {  	s0 =	sld [smem:$0x3F9C];
	_ =	swait.ge [sflag:s4], $0x0  }
0x19: {  	s7 =	sld [smem:$0x3F9D]  }
0x1a: {  	s8 =	sadd.s32 $0xFFFFE003, lr  }
0x1b: {  	s9 =	sadd.s32 $0xFFFFFEF7, lr;
	s5 =	simm.s32 $0xFFFFFFFF;
	p2 =	slt.u32 s8, $0xFFFFF086  }
0x1c: {  	p1 =	slt.u32 s9, $0xF7A;
	s5 =	simm.s32 @!p2 $0x0  }
0x1d: {  	s5 =	simm.s32 @p1 $0x1;
	p0 =	seq.s32 s7, s2  }
0x1e: {  	s7 =	smul.u32 @!p0 $0xF7A, s2;
	p2 =	seq.s32 @!p0 s5, $0x0  }
0x1f: {  	s9 =	smul.u32 $0xF7A, s1;
	s8 =	simm.s32 @!p0 $0x1BF5;
	p2 =	por !p2, p0  }
0x20: {  	[sflag:s8] =	ssyncset.s32 @!p0 $0xFFFFF086;
	s6 =	sadd.s32 @!p0 s3, s7;
	s7 =	simm.s32 @!p0 $0x108  }
0x21: {  	s3 =	sadd.s32 s3, s9;
	s6 =	sadd.s32 @!p0 $0x88, s6;
	s7 =	simm.s32 @p2 $0x1082  }
0x22: {  	[simem:s7], [sflag:s8] =	dma.local @!p0 [hbm:s6], $0xF7A  }
0x23: {  	s9 =	sor.u32 $0xD0000000, s2;
	s6 =	simm.s32 $0x108;
	_ =	swait.ge @!p0 [sflag:s8], $0x0  }
0x24: {  	s3 =	sadd.s32 $0x88, s3;
	s6 =	simm.s32 @!p1 $0x1082;
	[sflag:s4] =	ssyncset.s32 $0xFFFFF086  }
0x25: {  	[simem:s6], [sflag:s4] =	dma.local [hbm:s3], $0xF7A  }
0x26: {  	[smem:$0x3F9D] =	sst s1;
	(tag) =	ssettag s2;
	_ =	strace s9  }
0x27: {  	s1 =	sld [smem:$0x3FAD]  }
0x28: {  	s2 =	sld [smem:$0x3FAE]  }
0x29: {  	s4 =	sld [smem:$0x3FB0]  }
0x2a: {  	p0 =	seq.s32 s5, $0x0;
	s5 =	sld [smem:$0x3FB1]  }
0x2b: {  	s6 =	sld [smem:$0x3FB2]  }
0x2c: {  	s7 =	sld [smem:$0x3FB3]  }
0x2d: {  	s3 =	simm.s32 $0x108;
	s8 =	sld [smem:$0x3FB4]  }
0x2e: {  	s3 =	simm.s32 @!p0 $0x1082;
	s9 =	sld [smem:$0x3FB5]  }
0x2f: {  	lr =	sadd.s32 s0, s3;
	s0 =	sld [smem:$0x3FAC]  }
0x30: {  	s3 =	sld [smem:$0x3FAF]  }
0x31: {  	[smem:$0x3FB8] =	sst s10  }
0x32: {  	s10 =	sld [smem:$0x3FB6];
	_ =	sdelay $0x3  }
0x33: {  	p0 =	seq.s32 s10, $0x1;
	s10 =	sld [smem:$0x3FB8];
	_ =	sdelay $0x3  }
0x34: {  	[smem:$0x3FB8] =	sst s10  }
0x35: {  	s10 =	sld [smem:$0x3FB7];
	_ =	sdelay $0x3  }
0x36: {  	p1 =	seq.s32 s10, $0x1;
	s10 =	sld [smem:$0x3FB8];
	_ =	sdelay $0x3  }
0x37: {  	[smem:$0x3FB8] =	sst s10  }
0x38: {  	s10 =	sld [smem:$0x3FB9]  }
0x39: {  	_ = 	snop;
	(pc) =	sbr.ind lr, $3  }
0x3a: {  	_ = 	snop  }
0x3b: {  	_ = 	snop  }
0x3c: {  	p2 =	seq.s32 s10, $0x1;
	s10 =	sld [smem:$0x3FB8]  }
0x3d: {  	_ =	shalt  }
0x3e: {  	_ =	shalt  }
0x3f: {  	_ =	shalt  }
0x40: {  	_ =	shalt  }
0x41: {  	_ =	shalt  }
0x42: {  	_ =	shalt  }
0x43: {  	_ =	shalt  }
0x44: {  	_ =	shalt  }
0x45: {  	_ =	shalt  }
0x46: {  	_ =	shalt  }
0x47: {  	_ =	shalt  }
0x48: {  	_ =	shalt  }
0x49: {  	_ =	shalt  }
0x4a: {  	_ =	shalt  }
0x4b: {  	_ =	shalt  }
0x4c: {  	_ =	shalt  }
0x4d: {  	_ =	shalt  }
0x4e: {  	_ =	shalt  }
0x4f: {  	_ =	shalt  }
0x50: {  	_ =	shalt  }
0x51: {  	_ =	shalt  }
0x52: {  	_ =	shalt  }
0x53: {  	_ =	shalt  }
0x54: {  	_ =	shalt  }
0x55: {  	_ =	shalt  }
0x56: {  	_ =	shalt  }
0x57: {  	_ =	shalt  }
0x58: {  	_ =	shalt  }
0x59: {  	_ =	shalt  }
0x5a: {  	_ =	shalt  }
0x5b: {  	_ =	shalt  }
0x5c: {  	_ =	shalt  }
0x5d: {  	_ =	shalt  }
0x5e: {  	_ =	shalt  }
0x5f: {  	_ =	shalt  }
0x60: {  	_ =	shalt  }
0x61: {  	_ =	shalt  }
0x62: {  	_ =	shalt  }
0x63: {  	_ =	shalt  }
0x64: {  	_ =	shalt  }
0x65: {  	_ =	shalt  }
0x66: {  	_ =	shalt  }
0x67: {  	_ =	shalt  }
0x68: {  	_ =	shalt  }
0x69: {  	_ =	shalt  }
0x6a: {  	_ =	shalt  }
0x6b: {  	_ =	shalt  }
0x6c: {  	_ =	shalt  }
0x6d: {  	_ =	shalt  }
0x6e: {  	_ =	shalt  }
0x6f: {  	_ =	shalt  }
0x70: {  	_ =	shalt  }
0x71: {  	_ =	shalt  }
0x72: {  	_ =	shalt  }
0x73: {  	_ =	shalt  }
0x74: {  	_ =	shalt  }
0x75: {  	_ =	shalt  }
0x76: {  	_ =	shalt  }
0x77: {  	_ =	shalt  }
0x78: {  	_ =	shalt  }
0x79: {  	_ =	shalt  }
0x7a: {  	_ =	shalt  }
0x7b: {  	_ =	shalt  }
0x7c: {  	_ =	shalt  }
0x7d: {  	_ =	shalt  }
0x7e: {  	_ =	shalt  }
0x7f: {  	_ =	shalt  }
0x80: {  	_ =	shalt  }
0x81: {  	_ =	shalt  }
0x82: {  	_ =	shalt  }
0x83: {  	_ =	shalt  }
0x84: {  	_ =	shalt  }
0x85: {  	_ =	shalt  }
0x86: {  	_ =	shalt  }
0x87: {  	_ =	shalt  }
.Lfunc_end0:
.L_simem_size_0:
called_computation_lowered:
.L_overlay_start_0:
0x88: {  	s2 =	sld [smem:$0x3FD9]  }
0x89: {  	s3 =	sld [smem:$0x3FFE];
	_ =	sdelay $0x1  }
0x8a: {  	s1 =	srdreg.scid  }
0x8b: {  	s0 =	sand.u32 $0x1, s1  }
0x8c: {  	s17 =	sshll.u32 s0, $0xA;
	s2 =	sadd.s32 s3, s2  }
0x8d: {  	s2 =	sadd.s32 s2, s17  }
0x8e: {  	[smem:$0x3FC4] =	sst s2  }
0x8f: {  	_ = 	snop  }
0x90: {  	s2 =	sld [smem:$0x3FC9]  }
0x91: {  	s18 =	sld [smem:$0x3FC8];
	(tm) =	ssettm $0x1  }
0x92: {  	s4 =	sld [smem:$0x3FFB];
	_ =	sdelay $0x3  }
0x93: {  	_ =	strace s4  }
0x94: {  	s4 =	sld [smem:$0x3FFC];
	_ =	sdelay $0x3  }
0x95: {  	_ =	strace s4  }
0x96: {  	s4 =	sld [smem:$0x3FFD];
	_ =	sdelay $0x3  }
0x97: {  	_ =	strace s4  }
0x98: {  	_ =	strace $0x8FFFFFFF  }
0x99: {  	s19 =	sld [smem:$0x3FDB];
	_ =	sdelay $0x1  }
0x9a: {  	s5 =	simm.s32 $_scs_section_size  }
0x9b: {  	s6 =	simm.s32 $_size__tile_overlayer_lowered;
	s7 =	simm.s32 $_tile_overlayer_lowered  }
0x9c: {  	s22 =	simm.s32 $0x1BFF;
	s21 =	sshll.u32 s7, $0x1;
	s4 =	sadd.s32 s5, s19  }
0x9d: {  	s8 =	simm.s32 $0x0;
	s20 =	sshll.u32 s6, $0x1;
	s6 =	sadd.s32 s21, s4  }
0x9e: {  	[timem:s8], [sflag:s22] =	dma.local [hbm:s6], s20  }
0x9f: {  	_ =	swait.ge [sflag:s22], s20  }
0xa0: {  	s5 =	ssub.s32 $0x0, s20;
	[sflag:s22] =	ssyncset.done $0x0  }
0xa1: {  	[sflag:s22] =	ssyncadd.s32 s5;
	_ =	sdelay $0x1  }
0xa2: {  	s23 =	simm.s32 $0x1B8B  }
0xa3: {  	_ =	swait.ge [sflag:s23], $0x1  }
0xa4: {  	[sflag:s23] =	ssyncset.done $0x0  }
0xa5: {  	s25 =	simm.s32 $0x1B8E;
	s24 =	sld [smem:$0x3FFE];
	[sflag:s23] =	ssyncadd.s32 $0xFFFFFFFF  }
0xa6: {  	s26 =	simm.s32 $execute0_lowered;
	[smem:$0x3FD2] =	sst s25  }
0xa7: {  	s6 =	sshll.u32 s26, $0x1;
	_ =	strace $0x80000046;
	[dreg:$0x1] =	wrdreg $0xFFFFFFFF  }
0xa8: {  	s28 =	simm.s32 $_size_execute0_lowered;
	s4 =	sadd.s32 s4, s6;
	[dreg:$0x0] =	wrdreg $0x0  }
0xa9: {  	s6 =	sshll.u32 s28, $0x1;
	[dreg:$0x2] =	wrdreg s4  }
0xaa: {  	[dreg:$0x3] =	wrdreg s6  }
0xab: {  	[dreg:$0x4] =	wrdreg $0xC0  }
0xac: {  	_ =	task [dreg:s8], $0x5FFFF  }
0xad: {  	[dreg:$0x1] =	wrdreg $0xFFFFFFFF  }
0xae: {  	[dreg:$0x0] =	wrdreg $0x60  }
0xaf: {  	[dreg:$0x2] =	wrdreg s18  }
0xb0: {  	[dreg:$0x3] =	wrdreg s2  }
0xb1: {  	[dreg:$0x4] =	wrdreg s24  }
0xb2: {  	[dreg:$0x5] =	wrdreg $0x9  }
0xb3: {  	_ =	task.clear_ibuf [dreg:s8], $0x6FFFF;
	_ =	strace $0x90000046  }
0xb4: {  	s29 =	simm.s32 $0x9;
	_ =	strace $0x80000048  }
0xb5: {  	_ =	swait.ge [sflag:s29], $0x1  }
0xb6: {  	[sflag:s29] =	ssyncadd.s32 $0xFFFFFFFF  }
0xb7: {  	_ =	strace $0x90000048  }
0xb8: {  	_ =	sfence  }
0xb9: {  	s30 =	sld [smem:$0x0];
	_ =	sdelay $0x2  }
0xba: {  	s31 =	sshll.u32 s1, $0xD;
	s1 =	sshrl.u32 s1, $0x2  }
0xbb: {  	s3 =	sand.u32 $0x4000, s31;
	s1 =	sadd.s32 s1, s30  }
0xbc: {  	s0 =	sor.u32 s3, s0;
	s1 =	sshll.u32 s1, $0x11  }
0xbd: {  	s0 =	sor.u32 s1, s0  }
0xbe: {  	s0 =	sadd.s32 $0x8F2B, s0  }
0xbf: {  	[sflag:s0] =	ssyncadd.remote.s32 $0x1  }
0xc0: {  	_ =	sfence.sel $0xFFFF  }
0xc1: {  	[dreg:$0x0] =	wrdreg $0xFFFFFFFF;
	(pc) =	sbr.abs _section_cstart, $3  }
0xc2: {  	[dreg:$0x1] =	wrdreg $0xFFFFFFFF  }
0xc3: {  	_ =	task.clear_ibuf [dreg:s8], $0x2FFFF;
	_ =	strace $0x9FFFFFFF  }
0xc4: {  	(tm) =	ssettm $0x7FFFFFFF  }
0xc5: {  	_ =	shalt  }
tec
execute0_lowered:
.L_overlay_start_1:
0x0: {  	(tag) =	ssettag $0x1  }
0x1: {  	s4 =	rddreg [dreg:$0x0]  }
0x2: {  	s1 =	rddreg [dreg:$0x1]  }
0x3: {  	s5 =	rddreg [dreg:$0x2]  }
0x4: {  	s0 =	rddreg [dreg:$0x3]  }
0x5: {  	s3 =	simm.s32 $0x0;
	s6 =	srdreg.scid;
	s2 =	stileid.u32  }
0x6: {  	s11 =	simm.s32 $0x1A000;
	s12 =	simm.s32 $0x1;
	s13 =	simm.s32 $0x2  }
0x7: {  	s14 =	simm.s32 $0x10000;
	s15 =	simm.s32 $0x3;
	s16 =	simm.s32 $0x80  }
0x8: {  	s17 =	simm.s32 $0x400;
	s18 =	simm.s32 $0x4;
	s19 =	simm.s32 $0x0  }
0x9: {  	[smem:$0x7FF] =	sst s3;
	s6 =	sand.u32 $0x1, s6;
	s7 =	sshll.u32 s2, $0x4  }
0xa: {  	s9 =	sshll.u32 s2, $0xC;
	_ =	strace $0x80000047;
	s8 =	sshll.u32 s6, $0x10  }
0xb: {  	s7 =	sand.u32 $0x70, s7;
	s6 =	ssub.s32 $0x2, s6;
	s8 =	sor.u32 s9, s8  }
0xc: {  	s30 =	sadd.s32 s7, s5;
	s31 =	sshrl.u32 s6, $0x1;
	s4 =	sadd.s32 s4, s8  }
0xd: {  	s10 =	ssub.s32 s6, s31;
	s8 =	sand.u32 $0x18000, s8;
	s5 =	sadd.s32 $0x400, s4  }
0xe: {  	s6 =	sadd.s32 $0x800, s4;
	s7 =	sadd.s32 $0xC00, s4;
	s8 =	sadd.s32 s8, s30  }
0xf: {  	v0 =	vimm.s32 $0x0;
	v1 =	vimm.s32 $0x10000;
	s9 =	smax.u32 s10, $0x1;
	s10 =	simm.s32 $0x18000;
	s8 =	sadd.s32 $0xA00, s8  }
.LBB2_1:
0x10: {  	[tilespmem:s3], [sflag:$0x1] =	stream.linear.gather [hbm4b:s1+s3], $0x10000, $0x38;
	[tilespmem:$0x1C000] =	vst v63  }
0x11: {  	_ = 	snop  }
0x12: {  	[tilespmem:s10], [sflag:$0x2] =	stream.linear.gather [hbm4b:s4+s3], $0x2000, $0x38;
	[tilespmem:$0x1C000] =	vst v63  }
0x13: {  	s20 =	simm.s32 $0x10080  }
0x14: {  	[tilespmem:s11], [sflag:$0x3] =	stream.linear.gather [hbm4b:s5+s3], $0x2000, $0x38;
	[tilespmem:$0x1C000] =	vst v63  }
0x15: {  	[tilespmem:s20+$0xFFFFFF80] =	vst v0  }
0x16: {  	[tilespmem:s20+$0x70] =	vst v0  }
0x17: {  	[tilespmem:s20+$0x60] =	vst v0  }
0x18: {  	[tilespmem:s20+$0x50] =	vst v0  }
0x19: {  	[tilespmem:s20+$0x40] =	vst v0  }
0x1a: {  	[tilespmem:s20+$0x30] =	vst v0  }
0x1b: {  	[tilespmem:s20+$0x20] =	vst v0  }
0x1c: {  	[tilespmem:s20+$0x10] =	vst v0  }
0x1d: {  	[tilespmem:s20+$0x0] =	vst v0  }
0x1e: {  	[tilespmem:s20+$0xFFFFFFF0] =	vst v0  }
0x1f: {  	[tilespmem:s20+$0xFFFFFFE0] =	vst v0  }
0x20: {  	[tilespmem:s20+$0xFFFFFFD0] =	vst v0  }
0x21: {  	[tilespmem:s20+$0xFFFFFFC0] =	vst v0  }
0x22: {  	[tilespmem:s20+$0xFFFFFFB0] =	vst v0  }
0x23: {  	s21 =	simm.s32 $0x0;
	[tilespmem:s20+$0xFFFFFFA0] =	vst v0  }
.LBB2_2:
0x24: {  	s21 =	sadd.s32 $0x100, s21;
	[tilespmem:s20+$0xFFFFFF90] =	vst v0;
	s20 =	sadd.s32 $0x100, s20  }
0x25: {  	[tilespmem:s20+$0xFFFFFF80] =	vst v0;
	p0 =	slt.u32 s21, $0x7F00  }
0x26: {  	[tilespmem:s20+$0x70] =	vst v0  }
0x27: {  	[tilespmem:s20+$0x60] =	vst v0  }
0x28: {  	[tilespmem:s20+$0x50] =	vst v0  }
0x29: {  	[tilespmem:s20+$0x40] =	vst v0  }
0x2a: {  	[tilespmem:s20+$0x30] =	vst v0  }
0x2b: {  	[tilespmem:s20+$0x20] =	vst v0  }
0x2c: {  	[tilespmem:s20+$0x10] =	vst v0  }
0x2d: {  	[tilespmem:s20+$0x0] =	vst v0  }
0x2e: {  	[tilespmem:s20+$0xFFFFFFF0] =	vst v0  }
.Ltmp0:
0x2f: {  	[tilespmem:s20+$0xFFFFFFE0] =	vst v0;
	(pc) =	sbr.rel @p0 .LBB2_2-.Ltmp0, $4  }
0x30: {  	[tilespmem:s20+$0xFFFFFFD0] =	vst v0  }
0x31: {  	[tilespmem:s20+$0xFFFFFFC0] =	vst v0  }
0x32: {  	[tilespmem:s20+$0xFFFFFFB0] =	vst v0  }
0x33: {  	[tilespmem:s20+$0xFFFFFFA0] =	vst v0  }
0x34: {  	[tilespmem:s20+$0xFFFFFF90] =	vst v0  }
0x35: {  	_ =	swait.ge [sflag:s12], $0x10000  }
0x36: {  	[sflag:s12] =	ssyncset.done $0x0  }
0x37: {  	[sflag:s12] =	ssyncadd.s32 $0xFFFF0000  }
0x38: {  	_ =	swait.ge [sflag:s13], $0x2000  }
0x39: {  	[sflag:s13] =	ssyncset.done $0x0  }
0x3a: {  	s31 =	simm.s32 $0x18040;
	[sflag:s13] =	ssyncadd.s32 $0xFFFFE000  }
0x3b: {  	v2 =	vld [tilespmem:s31+$0x30]  }
0x3c: {  	v3 =	vld [tilespmem:s31+$0xFFFFFFD0]  }
0x3d: {  	v4 =	vld [tilespmem:s31+$0xFFFFFFE0]  }
0x3e: {  	v5 =	vld [tilespmem:s31+$0xFFFFFFF0]  }
0x3f: {  	v6 =	vld [tilespmem:s31+$0x0]  }
0x40: {  	v7 =	vld [tilespmem:s31+$0x10]  }
0x41: {  	v8 =	vld [tilespmem:s31+$0x20]  }
0x42: {  	v9 =	vld [tilespmem:s31+$0xFFFFFFC0]  }
0x43: {  	v2 =	vld.idx.msk [tilespmem:v2+s3+$0x0], $0xffff  }
0x44: {  	v3 =	vld.idx.msk [tilespmem:v3+s3+$0x0], $0xffff  }
0x45: {  	v4 =	vld.idx.msk [tilespmem:v4+s3+$0x0], $0xffff  }
0x46: {  	v5 =	vld.idx.msk [tilespmem:v5+s3+$0x0], $0xffff  }
0x47: {  	v6 =	vld.idx.msk [tilespmem:v6+s3+$0x0], $0xffff  }
0x48: {  	v7 =	vld.idx.msk [tilespmem:v7+s3+$0x0], $0xffff;
	v10 =	vand.u32 $0x7FFF, v2  }
0x49: {  	v8 =	vld.idx.msk [tilespmem:v8+s3+$0x0], $0xffff;
	v11 =	vand.u32 $0x7FFF, v3  }
0x4a: {  	v9 =	vld.idx.msk [tilespmem:v9+s3+$0x0], $0xffff;
	v12 =	vand.u32 $0x7FFF, v4  }
0x4b: {  	vm0 =	vlt.s32 v3, $0x8000;
	v13 =	vand.u32 $0x7FFF, v5;
	vm1 =	vlt.s32 v2, $0x8000  }
0x4c: {  	vm2 =	vlt.s32 v4, $0x8000;
	v14 =	vand.u32 $0x7FFF, v6;
	v2 =	vsel vm1, $0x1, v1  }
0x4d: {  	vm12 =	vlt.s32 v5, $0x8000;
	vm13 =	vlt.s32 v6, $0x8000;
	v3 =	vsel vm0, $0x1, v1;
	[tilespmem:v10+s14+$0x0] =	vst.idx.add.s32.msk $0xffff, v2  }
0x4e: {  	vm14 =	vlt.s32 v7, $0x8000;
	vm15 =	vlt.s32 v8, $0x8000;
	v4 =	vsel vm2, $0x1, v1;
	[tilespmem:v11+s14+$0x0] =	vst.idx.add.s32.msk $0xffff, v3  }
0x4f: {  	vm3 =	vlt.s32 v9, $0x8000;
	v5 =	vsel vm12, $0x1, v1;
	v6 =	vsel vm14, $0x1, v1;
	[tilespmem:v12+s14+$0x0] =	vst.idx.add.s32.msk $0xffff, v4  }
0x50: {  	v2 =	vand.u32 $0x7FFF, v7;
	v3 =	vand.u32 $0x7FFF, v8;
	v8 =	vsel vm13, $0x1, v1;
	[tilespmem:v13+s14+$0x0] =	vst.idx.add.s32.msk $0xffff, v5  }
0x51: {  	s20 =	simm.s32 $0x0;
	s21 =	simm.s32 $0x180C0;
	v4 =	vand.u32 $0x7FFF, v9;
	v7 =	vsel vm3, $0x1, v1;
	v5 =	vsel vm15, $0x1, v1;
	[tilespmem:v14+s14+$0x0] =	vst.idx.add.s32.msk $0xffff, v8  }
.LBB2_4:
0x52: {  	v8 =	vld [tilespmem:s21+$0x30];
	s20 =	sadd.s32 $0x80, s20  }
0x53: {  	v9 =	vld [tilespmem:s21+$0xFFFFFFD0];
	p0 =	slt.u32 s20, $0x1F80  }
0x54: {  	v10 =	vld [tilespmem:s21+$0xFFFFFFE0]  }
0x55: {  	v11 =	vld [tilespmem:s21+$0xFFFFFFF0]  }
0x56: {  	v12 =	vld [tilespmem:s21+$0x0]  }
0x57: {  	v13 =	vld [tilespmem:s21+$0x10]  }
0x58: {  	v14 =	vld [tilespmem:s21+$0x20]  }
0x59: {  	v15 =	vld [tilespmem:s21+$0xFFFFFFC0]  }
0x5a: {  	v8 =	vld.idx.msk [tilespmem:v8+s3+$0x0], $0xffff  }
0x5b: {  	v9 =	vld.idx.msk [tilespmem:v9+s3+$0x0], $0xffff  }
0x5c: {  	v10 =	vld.idx.msk [tilespmem:v10+s3+$0x0], $0xffff  }
0x5d: {  	v11 =	vld.idx.msk [tilespmem:v11+s3+$0x0], $0xffff  }
0x5e: {  	v12 =	vld.idx.msk [tilespmem:v12+s3+$0x0], $0xffff  }
0x5f: {  	v13 =	vld.idx.msk [tilespmem:v13+s3+$0x0], $0xffff  }
0x60: {  	v16 =	vand.u32 $0x7FFF, v8;
	v14 =	vld.idx.msk [tilespmem:v14+s3+$0x0], $0xffff  }
0x61: {  	vm0 =	vlt.s32 v9, $0x8000;
	v9 =	vand.u32 $0x7FFF, v9;
	v15 =	vld.idx.msk [tilespmem:v15+s3+$0x0], $0xffff  }
0x62: {  	v17 =	vsel vm0, $0x1, v1;
	vm0 =	vlt.s32 v10, $0x8000;
	v10 =	vand.u32 $0x7FFF, v10;
	[tilespmem:v4+s14+$0x0] =	vst.idx.add.s32.msk $0xffff, v7  }
0x63: {  	vm2 =	vlt.s32 v8, $0x8000;
	vm1 =	vlt.s32 v11, $0x8000;
	v11 =	vand.u32 $0x7FFF, v11;
	[tilespmem:v2+s14+$0x0] =	vst.idx.add.s32.msk $0xffff, v6  }
0x64: {  	v4 =	vsel vm2, $0x1, v1;
	vm3 =	vlt.s32 v12, $0x8000;
	v8 =	vand.u32 $0x7FFF, v12;
	[tilespmem:v3+s14+$0x0] =	vst.idx.add.s32.msk $0xffff, v5  }
.Ltmp1:
0x65: {  	v5 =	vsel vm0, $0x1, v1;
	vm0 =	vlt.s32 v13, $0x8000;
	v2 =	vand.u32 $0x7FFF, v13;
	[tilespmem:v16+s14+$0x0] =	vst.idx.add.s32.msk $0xffff, v4;
	(pc) =	sbr.rel @p0 .LBB2_4-.Ltmp1, $4  }
0x66: {  	v6 =	vsel vm1, $0x1, v1;
	vm1 =	vlt.s32 v14, $0x8000;
	v3 =	vand.u32 $0x7FFF, v14;
	[tilespmem:v9+s14+$0x0] =	vst.idx.add.s32.msk $0xffff, v17  }
0x67: {  	vm2 =	vlt.s32 v15, $0x8000;
	v4 =	vand.u32 $0x7FFF, v15;
	v9 =	vsel vm3, $0x1, v1;
	[tilespmem:v10+s14+$0x0] =	vst.idx.add.s32.msk $0xffff, v5  }
0x68: {  	v7 =	vsel vm2, $0x1, v1;
	v5 =	vsel vm1, $0x1, v1;
	[tilespmem:v11+s14+$0x0] =	vst.idx.add.s32.msk $0xffff, v6;
	v6 =	vsel vm0, $0x1, v1  }
0x69: {  	s21 =	sadd.s32 $0x80, s21;
	[tilespmem:v8+s14+$0x0] =	vst.idx.add.s32.msk $0xffff, v9  }
0x6a: {  	_ =	sdelay $0x3  }
0x6b: {  	[tilespmem:v4+s14+$0x0] =	vst.idx.add.s32.msk $0xffff, v7  }
0x6c: {  	[tilespmem:v2+s14+$0x0] =	vst.idx.add.s32.msk $0xffff, v6  }
0x6d: {  	[tilespmem:v3+s14+$0x0] =	vst.idx.add.s32.msk $0xffff, v5  }
0x6e: {  	[tilespmem:s10], [sflag:$0x2] =	stream.linear.gather [hbm4b:s6+s3], $0x2000, $0x38;
	[tilespmem:$0x1C000] =	vst v63  }
0x6f: {  	_ =	swait.ge [sflag:s15], $0x2000  }
0x70: {  	[sflag:s15] =	ssyncset.done $0x0  }
0x71: {  	s20 =	simm.s32 $0x1A040;
	[sflag:s15] =	ssyncadd.s32 $0xFFFFE000  }
0x72: {  	v2 =	vld [tilespmem:s20+$0x30]  }
0x73: {  	v3 =	vld [tilespmem:s20+$0xFFFFFFD0]  }
0x74: {  	v4 =	vld [tilespmem:s20+$0xFFFFFFE0]  }
0x75: {  	v5 =	vld [tilespmem:s20+$0xFFFFFFF0]  }
0x76: {  	v6 =	vld [tilespmem:s20+$0x0]  }
0x77: {  	v7 =	vld [tilespmem:s20+$0x10]  }
0x78: {  	v8 =	vld [tilespmem:s20+$0x20]  }
0x79: {  	v9 =	vld [tilespmem:s20+$0xFFFFFFC0]  }
0x7a: {  	v2 =	vld.idx.msk [tilespmem:v2+s3+$0x0], $0xffff  }
0x7b: {  	v3 =	vld.idx.msk [tilespmem:v3+s3+$0x0], $0xffff  }
0x7c: {  	v4 =	vld.idx.msk [tilespmem:v4+s3+$0x0], $0xffff  }
0x7d: {  	v5 =	vld.idx.msk [tilespmem:v5+s3+$0x0], $0xffff  }
0x7e: {  	v6 =	vld.idx.msk [tilespmem:v6+s3+$0x0], $0xffff  }
0x7f: {  	v7 =	vld.idx.msk [tilespmem:v7+s3+$0x0], $0xffff;
	v10 =	vand.u32 $0x7FFF, v2  }
0x80: {  	v8 =	vld.idx.msk [tilespmem:v8+s3+$0x0], $0xffff;
	v11 =	vand.u32 $0x7FFF, v3  }
0x81: {  	v9 =	vld.idx.msk [tilespmem:v9+s3+$0x0], $0xffff;
	v12 =	vand.u32 $0x7FFF, v4  }
0x82: {  	vm0 =	vlt.s32 v3, $0x8000;
	v13 =	vand.u32 $0x7FFF, v5;
	vm1 =	vlt.s32 v2, $0x8000  }
0x83: {  	vm2 =	vlt.s32 v4, $0x8000;
	v14 =	vand.u32 $0x7FFF, v6;
	v2 =	vsel vm1, $0x1, v1  }
0x84: {  	vm12 =	vlt.s32 v5, $0x8000;
	vm13 =	vlt.s32 v6, $0x8000;
	v3 =	vsel vm0, $0x1, v1;
	[tilespmem:v10+s14+$0x0] =	vst.idx.add.s32.msk $0xffff, v2  }
0x85: {  	vm14 =	vlt.s32 v7, $0x8000;
	vm15 =	vlt.s32 v8, $0x8000;
	v4 =	vsel vm2, $0x1, v1;
	[tilespmem:v11+s14+$0x0] =	vst.idx.add.s32.msk $0xffff, v3  }
0x86: {  	vm3 =	vlt.s32 v9, $0x8000;
	v5 =	vsel vm12, $0x1, v1;
	v6 =	vsel vm14, $0x1, v1;
	[tilespmem:v12+s14+$0x0] =	vst.idx.add.s32.msk $0xffff, v4  }
0x87: {  	v2 =	vand.u32 $0x7FFF, v7;
	v3 =	vand.u32 $0x7FFF, v8;
	v8 =	vsel vm13, $0x1, v1;
	[tilespmem:v13+s14+$0x0] =	vst.idx.add.s32.msk $0xffff, v5  }
0x88: {  	s21 =	simm.s32 $0x1A0C0;
	s20 =	simm.s32 $0x0;
	v4 =	vand.u32 $0x7FFF, v9;
	v7 =	vsel vm3, $0x1, v1;
	v5 =	vsel vm15, $0x1, v1;
	[tilespmem:v14+s14+$0x0] =	vst.idx.add.s32.msk $0xffff, v8  }
.LBB2_6:
0x89: {  	v8 =	vld [tilespmem:s21+$0x30];
	s20 =	sadd.s32 $0x80, s20  }
0x8a: {  	v9 =	vld [tilespmem:s21+$0xFFFFFFD0];
	p0 =	slt.u32 s20, $0x1F80  }
0x8b: {  	v10 =	vld [tilespmem:s21+$0xFFFFFFE0]  }
0x8c: {  	v11 =	vld [tilespmem:s21+$0xFFFFFFF0]  }
0x8d: {  	v12 =	vld [tilespmem:s21+$0x0]  }
0x8e: {  	v13 =	vld [tilespmem:s21+$0x10]  }
0x8f: {  	v14 =	vld [tilespmem:s21+$0x20]  }
0x90: {  	v15 =	vld [tilespmem:s21+$0xFFFFFFC0]  }
0x91: {  	v8 =	vld.idx.msk [tilespmem:v8+s3+$0x0], $0xffff  }
0x92: {  	v9 =	vld.idx.msk [tilespmem:v9+s3+$0x0], $0xffff  }
0x93: {  	v10 =	vld.idx.msk [tilespmem:v10+s3+$0x0], $0xffff  }
0x94: {  	v11 =	vld.idx.msk [tilespmem:v11+s3+$0x0], $0xffff  }
0x95: {  	v12 =	vld.idx.msk [tilespmem:v12+s3+$0x0], $0xffff  }
0x96: {  	v13 =	vld.idx.msk [tilespmem:v13+s3+$0x0], $0xffff  }
0x97: {  	v16 =	vand.u32 $0x7FFF, v8;
	v14 =	vld.idx.msk [tilespmem:v14+s3+$0x0], $0xffff  }
0x98: {  	vm0 =	vlt.s32 v9, $0x8000;
	v9 =	vand.u32 $0x7FFF, v9;
	v15 =	vld.idx.msk [tilespmem:v15+s3+$0x0], $0xffff  }
0x99: {  	v17 =	vsel vm0, $0x1, v1;
	vm0 =	vlt.s32 v10, $0x8000;
	v10 =	vand.u32 $0x7FFF, v10;
	[tilespmem:v4+s14+$0x0] =	vst.idx.add.s32.msk $0xffff, v7  }
0x9a: {  	vm2 =	vlt.s32 v8, $0x8000;
	vm1 =	vlt.s32 v11, $0x8000;
	v11 =	vand.u32 $0x7FFF, v11;
	[tilespmem:v2+s14+$0x0] =	vst.idx.add.s32.msk $0xffff, v6  }
0x9b: {  	v4 =	vsel vm2, $0x1, v1;
	vm3 =	vlt.s32 v12, $0x8000;
	v8 =	vand.u32 $0x7FFF, v12;
	[tilespmem:v3+s14+$0x0] =	vst.idx.add.s32.msk $0xffff, v5  }
.Ltmp2:
0x9c: {  	v5 =	vsel vm0, $0x1, v1;
	vm0 =	vlt.s32 v13, $0x8000;
	v2 =	vand.u32 $0x7FFF, v13;
	[tilespmem:v16+s14+$0x0] =	vst.idx.add.s32.msk $0xffff, v4;
	(pc) =	sbr.rel @p0 .LBB2_6-.Ltmp2, $4  }
0x9d: {  	v6 =	vsel vm1, $0x1, v1;
	vm1 =	vlt.s32 v14, $0x8000;
	v3 =	vand.u32 $0x7FFF, v14;
	[tilespmem:v9+s14+$0x0] =	vst.idx.add.s32.msk $0xffff, v17  }
0x9e: {  	vm2 =	vlt.s32 v15, $0x8000;
	v4 =	vand.u32 $0x7FFF, v15;
	v9 =	vsel vm3, $0x1, v1;
	[tilespmem:v10+s14+$0x0] =	vst.idx.add.s32.msk $0xffff, v5  }
0x9f: {  	v7 =	vsel vm2, $0x1, v1;
	v5 =	vsel vm1, $0x1, v1;
	[tilespmem:v11+s14+$0x0] =	vst.idx.add.s32.msk $0xffff, v6;
	v6 =	vsel vm0, $0x1, v1  }
0xa0: {  	s21 =	sadd.s32 $0x80, s21;
	[tilespmem:v8+s14+$0x0] =	vst.idx.add.s32.msk $0xffff, v9  }
0xa1: {  	_ =	sdelay $0x3  }
0xa2: {  	[tilespmem:v4+s14+$0x0] =	vst.idx.add.s32.msk $0xffff, v7  }
0xa3: {  	[tilespmem:v2+s14+$0x0] =	vst.idx.add.s32.msk $0xffff, v6  }
0xa4: {  	[tilespmem:v3+s14+$0x0] =	vst.idx.add.s32.msk $0xffff, v5  }
0xa5: {  	[tilespmem:s11], [sflag:$0x3] =	stream.linear.gather [hbm4b:s7+s3], $0x2000, $0x38;
	[tilespmem:$0x1C000] =	vst v63  }
0xa6: {  	_ =	swait.ge [sflag:s13], $0x2000  }
0xa7: {  	[sflag:s13] =	ssyncset.done $0x0  }
0xa8: {  	s20 =	simm.s32 $0x18040;
	[sflag:s13] =	ssyncadd.s32 $0xFFFFE000  }
0xa9: {  	v2 =	vld [tilespmem:s20+$0x30]  }
0xaa: {  	v3 =	vld [tilespmem:s20+$0xFFFFFFD0]  }
0xab: {  	v4 =	vld [tilespmem:s20+$0xFFFFFFE0]  }
0xac: {  	v5 =	vld [tilespmem:s20+$0xFFFFFFF0]  }
0xad: {  	v6 =	vld [tilespmem:s20+$0x0]  }
0xae: {  	v7 =	vld [tilespmem:s20+$0x10]  }
0xaf: {  	v8 =	vld [tilespmem:s20+$0x20]  }
0xb0: {  	v9 =	vld [tilespmem:s20+$0xFFFFFFC0]  }
0xb1: {  	v2 =	vld.idx.msk [tilespmem:v2+s3+$0x0], $0xffff  }
0xb2: {  	v3 =	vld.idx.msk [tilespmem:v3+s3+$0x0], $0xffff  }
0xb3: {  	v4 =	vld.idx.msk [tilespmem:v4+s3+$0x0], $0xffff  }
0xb4: {  	v5 =	vld.idx.msk [tilespmem:v5+s3+$0x0], $0xffff  }
0xb5: {  	v6 =	vld.idx.msk [tilespmem:v6+s3+$0x0], $0xffff  }
0xb6: {  	v7 =	vld.idx.msk [tilespmem:v7+s3+$0x0], $0xffff;
	v10 =	vand.u32 $0x7FFF, v2  }
0xb7: {  	v8 =	vld.idx.msk [tilespmem:v8+s3+$0x0], $0xffff;
	v11 =	vand.u32 $0x7FFF, v3  }
0xb8: {  	v9 =	vld.idx.msk [tilespmem:v9+s3+$0x0], $0xffff;
	v12 =	vand.u32 $0x7FFF, v4  }
0xb9: {  	vm0 =	vlt.s32 v3, $0x8000;
	v13 =	vand.u32 $0x7FFF, v5;
	vm1 =	vlt.s32 v2, $0x8000  }
0xba: {  	vm2 =	vlt.s32 v4, $0x8000;
	v14 =	vand.u32 $0x7FFF, v6;
	v2 =	vsel vm1, $0x1, v1  }
0xbb: {  	vm12 =	vlt.s32 v5, $0x8000;
	vm13 =	vlt.s32 v6, $0x8000;
	v3 =	vsel vm0, $0x1, v1;
	[tilespmem:v10+s14+$0x0] =	vst.idx.add.s32.msk $0xffff, v2  }
0xbc: {  	vm14 =	vlt.s32 v7, $0x8000;
	vm15 =	vlt.s32 v8, $0x8000;
	v4 =	vsel vm2, $0x1, v1;
	[tilespmem:v11+s14+$0x0] =	vst.idx.add.s32.msk $0xffff, v3  }
0xbd: {  	vm3 =	vlt.s32 v9, $0x8000;
	v5 =	vsel vm12, $0x1, v1;
	v6 =	vsel vm14, $0x1, v1;
	[tilespmem:v12+s14+$0x0] =	vst.idx.add.s32.msk $0xffff, v4  }
0xbe: {  	v2 =	vand.u32 $0x7FFF, v7;
	v3 =	vand.u32 $0x7FFF, v8;
	v8 =	vsel vm13, $0x1, v1;
	[tilespmem:v13+s14+$0x0] =	vst.idx.add.s32.msk $0xffff, v5  }
0xbf: {  	s21 =	simm.s32 $0x180C0;
	s20 =	simm.s32 $0x0;
	v4 =	vand.u32 $0x7FFF, v9;
	v7 =	vsel vm3, $0x1, v1;
	v5 =	vsel vm15, $0x1, v1;
	[tilespmem:v14+s14+$0x0] =	vst.idx.add.s32.msk $0xffff, v8  }
.LBB2_8:
0xc0: {  	v8 =	vld [tilespmem:s21+$0x30];
	s20 =	sadd.s32 $0x80, s20  }
0xc1: {  	v9 =	vld [tilespmem:s21+$0xFFFFFFD0];
	p0 =	slt.u32 s20, $0x1F80  }
0xc2: {  	v10 =	vld [tilespmem:s21+$0xFFFFFFE0]  }
0xc3: {  	v11 =	vld [tilespmem:s21+$0xFFFFFFF0]  }
0xc4: {  	v12 =	vld [tilespmem:s21+$0x0]  }
0xc5: {  	v13 =	vld [tilespmem:s21+$0x10]  }
0xc6: {  	v14 =	vld [tilespmem:s21+$0x20]  }
0xc7: {  	v15 =	vld [tilespmem:s21+$0xFFFFFFC0]  }
0xc8: {  	v8 =	vld.idx.msk [tilespmem:v8+s3+$0x0], $0xffff  }
0xc9: {  	v9 =	vld.idx.msk [tilespmem:v9+s3+$0x0], $0xffff  }
0xca: {  	v10 =	vld.idx.msk [tilespmem:v10+s3+$0x0], $0xffff  }
0xcb: {  	v11 =	vld.idx.msk [tilespmem:v11+s3+$0x0], $0xffff  }
0xcc: {  	v12 =	vld.idx.msk [tilespmem:v12+s3+$0x0], $0xffff  }
0xcd: {  	v13 =	vld.idx.msk [tilespmem:v13+s3+$0x0], $0xffff  }
0xce: {  	v16 =	vand.u32 $0x7FFF, v8;
	v14 =	vld.idx.msk [tilespmem:v14+s3+$0x0], $0xffff  }
0xcf: {  	vm0 =	vlt.s32 v9, $0x8000;
	v9 =	vand.u32 $0x7FFF, v9;
	v15 =	vld.idx.msk [tilespmem:v15+s3+$0x0], $0xffff  }
0xd0: {  	v17 =	vsel vm0, $0x1, v1;
	vm0 =	vlt.s32 v10, $0x8000;
	v10 =	vand.u32 $0x7FFF, v10;
	[tilespmem:v4+s14+$0x0] =	vst.idx.add.s32.msk $0xffff, v7  }
0xd1: {  	vm2 =	vlt.s32 v8, $0x8000;
	vm1 =	vlt.s32 v11, $0x8000;
	v11 =	vand.u32 $0x7FFF, v11;
	[tilespmem:v2+s14+$0x0] =	vst.idx.add.s32.msk $0xffff, v6  }
0xd2: {  	v4 =	vsel vm2, $0x1, v1;
	vm3 =	vlt.s32 v12, $0x8000;
	v8 =	vand.u32 $0x7FFF, v12;
	[tilespmem:v3+s14+$0x0] =	vst.idx.add.s32.msk $0xffff, v5  }
.Ltmp3:
0xd3: {  	v5 =	vsel vm0, $0x1, v1;
	vm0 =	vlt.s32 v13, $0x8000;
	v2 =	vand.u32 $0x7FFF, v13;
	[tilespmem:v16+s14+$0x0] =	vst.idx.add.s32.msk $0xffff, v4;
	(pc) =	sbr.rel @p0 .LBB2_8-.Ltmp3, $4  }
0xd4: {  	v6 =	vsel vm1, $0x1, v1;
	vm1 =	vlt.s32 v14, $0x8000;
	v3 =	vand.u32 $0x7FFF, v14;
	[tilespmem:v9+s14+$0x0] =	vst.idx.add.s32.msk $0xffff, v17  }
0xd5: {  	vm2 =	vlt.s32 v15, $0x8000;
	v4 =	vand.u32 $0x7FFF, v15;
	v9 =	vsel vm3, $0x1, v1;
	[tilespmem:v10+s14+$0x0] =	vst.idx.add.s32.msk $0xffff, v5  }
0xd6: {  	v7 =	vsel vm2, $0x1, v1;
	v5 =	vsel vm1, $0x1, v1;
	[tilespmem:v11+s14+$0x0] =	vst.idx.add.s32.msk $0xffff, v6;
	v6 =	vsel vm0, $0x1, v1  }
0xd7: {  	s21 =	sadd.s32 $0x80, s21;
	[tilespmem:v8+s14+$0x0] =	vst.idx.add.s32.msk $0xffff, v9  }
0xd8: {  	_ =	sdelay $0x3  }
0xd9: {  	[tilespmem:v4+s14+$0x0] =	vst.idx.add.s32.msk $0xffff, v7  }
0xda: {  	[tilespmem:v2+s14+$0x0] =	vst.idx.add.s32.msk $0xffff, v6  }
0xdb: {  	[tilespmem:v3+s14+$0x0] =	vst.idx.add.s32.msk $0xffff, v5  }
0xdc: {  	_ =	swait.ge [sflag:s15], $0x2000  }
0xdd: {  	[sflag:s15] =	ssyncset.done $0x0  }
0xde: {  	s20 =	simm.s32 $0x1A040;
	[sflag:s15] =	ssyncadd.s32 $0xFFFFE000  }
0xdf: {  	v2 =	vld [tilespmem:s20+$0x30]  }
0xe0: {  	v3 =	vld [tilespmem:s20+$0xFFFFFFD0]  }
0xe1: {  	v4 =	vld [tilespmem:s20+$0xFFFFFFE0]  }
0xe2: {  	v5 =	vld [tilespmem:s20+$0xFFFFFFF0]  }
0xe3: {  	v6 =	vld [tilespmem:s20+$0x0]  }
0xe4: {  	v7 =	vld [tilespmem:s20+$0x10]  }
0xe5: {  	v8 =	vld [tilespmem:s20+$0x20]  }
0xe6: {  	v9 =	vld [tilespmem:s20+$0xFFFFFFC0]  }
0xe7: {  	v2 =	vld.idx.msk [tilespmem:v2+s3+$0x0], $0xffff  }
0xe8: {  	v3 =	vld.idx.msk [tilespmem:v3+s3+$0x0], $0xffff  }
0xe9: {  	v4 =	vld.idx.msk [tilespmem:v4+s3+$0x0], $0xffff  }
0xea: {  	v5 =	vld.idx.msk [tilespmem:v5+s3+$0x0], $0xffff  }
0xeb: {  	v6 =	vld.idx.msk [tilespmem:v6+s3+$0x0], $0xffff  }
0xec: {  	v7 =	vld.idx.msk [tilespmem:v7+s3+$0x0], $0xffff;
	v10 =	vand.u32 $0x7FFF, v2  }
0xed: {  	v8 =	vld.idx.msk [tilespmem:v8+s3+$0x0], $0xffff;
	v11 =	vand.u32 $0x7FFF, v3  }
0xee: {  	v9 =	vld.idx.msk [tilespmem:v9+s3+$0x0], $0xffff;
	v12 =	vand.u32 $0x7FFF, v4  }
0xef: {  	vm0 =	vlt.s32 v3, $0x8000;
	v13 =	vand.u32 $0x7FFF, v5;
	vm1 =	vlt.s32 v2, $0x8000  }
0xf0: {  	vm2 =	vlt.s32 v4, $0x8000;
	v14 =	vand.u32 $0x7FFF, v6;
	v2 =	vsel vm1, $0x1, v1  }
0xf1: {  	vm12 =	vlt.s32 v5, $0x8000;
	vm13 =	vlt.s32 v6, $0x8000;
	v3 =	vsel vm0, $0x1, v1;
	[tilespmem:v10+s14+$0x0] =	vst.idx.add.s32.msk $0xffff, v2  }
0xf2: {  	vm14 =	vlt.s32 v7, $0x8000;
	vm15 =	vlt.s32 v8, $0x8000;
	v4 =	vsel vm2, $0x1, v1;
	[tilespmem:v11+s14+$0x0] =	vst.idx.add.s32.msk $0xffff, v3  }
0xf3: {  	vm3 =	vlt.s32 v9, $0x8000;
	v5 =	vsel vm12, $0x1, v1;
	v6 =	vsel vm14, $0x1, v1;
	[tilespmem:v12+s14+$0x0] =	vst.idx.add.s32.msk $0xffff, v4  }
0xf4: {  	v2 =	vand.u32 $0x7FFF, v7;
	v3 =	vand.u32 $0x7FFF, v8;
	v8 =	vsel vm13, $0x1, v1;
	[tilespmem:v13+s14+$0x0] =	vst.idx.add.s32.msk $0xffff, v5  }
0xf5: {  	s21 =	simm.s32 $0x1A0C0;
	s20 =	simm.s32 $0x0;
	v4 =	vand.u32 $0x7FFF, v9;
	v7 =	vsel vm3, $0x1, v1;
	v5 =	vsel vm15, $0x1, v1;
	[tilespmem:v14+s14+$0x0] =	vst.idx.add.s32.msk $0xffff, v8  }
.LBB2_10:
0xf6: {  	v8 =	vld [tilespmem:s21+$0x30];
	s20 =	sadd.s32 $0x80, s20  }
0xf7: {  	v9 =	vld [tilespmem:s21+$0xFFFFFFD0];
	p0 =	slt.u32 s20, $0x1F80  }
0xf8: {  	v10 =	vld [tilespmem:s21+$0xFFFFFFE0]  }
0xf9: {  	v11 =	vld [tilespmem:s21+$0xFFFFFFF0]  }
0xfa: {  	v12 =	vld [tilespmem:s21+$0x0]  }
0xfb: {  	v13 =	vld [tilespmem:s21+$0x10]  }
0xfc: {  	v14 =	vld [tilespmem:s21+$0x20]  }
0xfd: {  	v15 =	vld [tilespmem:s21+$0xFFFFFFC0]  }
0xfe: {  	v8 =	vld.idx.msk [tilespmem:v8+s3+$0x0], $0xffff  }
0xff: {  	v9 =	vld.idx.msk [tilespmem:v9+s3+$0x0], $0xffff  }
0x100: {  	v10 =	vld.idx.msk [tilespmem:v10+s3+$0x0], $0xffff  }
0x101: {  	v11 =	vld.idx.msk [tilespmem:v11+s3+$0x0], $0xffff  }
0x102: {  	v12 =	vld.idx.msk [tilespmem:v12+s3+$0x0], $0xffff  }
0x103: {  	v13 =	vld.idx.msk [tilespmem:v13+s3+$0x0], $0xffff  }
0x104: {  	v16 =	vand.u32 $0x7FFF, v8;
	v14 =	vld.idx.msk [tilespmem:v14+s3+$0x0], $0xffff  }
0x105: {  	vm0 =	vlt.s32 v9, $0x8000;
	v9 =	vand.u32 $0x7FFF, v9;
	v15 =	vld.idx.msk [tilespmem:v15+s3+$0x0], $0xffff  }
0x106: {  	v17 =	vsel vm0, $0x1, v1;
	vm0 =	vlt.s32 v10, $0x8000;
	v10 =	vand.u32 $0x7FFF, v10;
	[tilespmem:v4+s14+$0x0] =	vst.idx.add.s32.msk $0xffff, v7  }
0x107: {  	vm2 =	vlt.s32 v8, $0x8000;
	vm1 =	vlt.s32 v11, $0x8000;
	v11 =	vand.u32 $0x7FFF, v11;
	[tilespmem:v2+s14+$0x0] =	vst.idx.add.s32.msk $0xffff, v6  }
0x108: {  	v4 =	vsel vm2, $0x1, v1;
	vm3 =	vlt.s32 v12, $0x8000;
	v8 =	vand.u32 $0x7FFF, v12;
	[tilespmem:v3+s14+$0x0] =	vst.idx.add.s32.msk $0xffff, v5  }
.Ltmp4:
0x109: {  	v5 =	vsel vm0, $0x1, v1;
	vm0 =	vlt.s32 v13, $0x8000;
	v2 =	vand.u32 $0x7FFF, v13;
	[tilespmem:v16+s14+$0x0] =	vst.idx.add.s32.msk $0xffff, v4;
	(pc) =	sbr.rel @p0 .LBB2_10-.Ltmp4, $4  }
0x10a: {  	v6 =	vsel vm1, $0x1, v1;
	vm1 =	vlt.s32 v14, $0x8000;
	v3 =	vand.u32 $0x7FFF, v14;
	[tilespmem:v9+s14+$0x0] =	vst.idx.add.s32.msk $0xffff, v17  }
0x10b: {  	vm2 =	vlt.s32 v15, $0x8000;
	v4 =	vand.u32 $0x7FFF, v15;
	v9 =	vsel vm3, $0x1, v1;
	[tilespmem:v10+s14+$0x0] =	vst.idx.add.s32.msk $0xffff, v5  }
0x10c: {  	v7 =	vsel vm2, $0x1, v1;
	v5 =	vsel vm1, $0x1, v1;
	[tilespmem:v11+s14+$0x0] =	vst.idx.add.s32.msk $0xffff, v6;
	v6 =	vsel vm0, $0x1, v1  }
0x10d: {  	s21 =	sadd.s32 $0x80, s21;
	[tilespmem:v8+s14+$0x0] =	vst.idx.add.s32.msk $0xffff, v9  }
0x10e: {  	_ =	sdelay $0x3  }
0x10f: {  	[tilespmem:v4+s14+$0x0] =	vst.idx.add.s32.msk $0xffff, v7;
	s19 =	sadd.s32 $0x1, s19  }
0x110: {  	[tilespmem:v2+s14+$0x0] =	vst.idx.add.s32.msk $0xffff, v6;
	p0 =	sne.s32 s19, s9  }
.Ltmp5:
0x111: {  	[tilespmem:v3+s14+$0x0] =	vst.idx.add.s32.msk $0xffff, v5;
	(pc) =	sbr.rel @p0 .LBB2_1-.Ltmp5, $4  }
0x112: {  	[hbm4b:s8+s16] =	stream.strided.scatter [tilespmem:s14], [sflag:$0x4], $0x8000, s17, s16, $0x38;
	[tilespmem:$0x1C000] =	vst v63  }
0x113: {  	_ =	swait.ge [sflag:s18], $0x8000  }
0x114: {  	[sflag:s18] =	ssyncset.done $0x0  }
0x115: {  	[sflag:s18] =	ssyncadd.s32 $0xFFFF8000  }
0x116: {  	_ =	sfence.sel $0x180000  }
0x117: {  	[bflag:$0x0] =	sbarrier.arrive $0xFFFF  }
0x118: {  	p0 =	sne.s32 s2, $0x0;
	_ =	strace $0x90000047  }
0x119: {  	s0 =	sadd.s32 @!p0 $0x100000, s0;
	[bflag:$0x2] =	sbarrier.arrive $0xFFFF  }
0x11a: {  	[sflag:s0] =	ssyncadd.tile.s32 @!p0 $0x1;
	_ =	shalt  }
.Lfunc_end2:
_tile_overlayer_lowered:
.L_overlay_start_2:
0x11b: {  	(tag) =	ssettag $0x2  }
0x11c: {  	s0 =	rddreg [dreg:$0x0];
	s2 =	stileid.u32  }
0x11d: {  	s1 =	rddreg [dreg:$0x1];
	p0 =	sne.s32 s2, $0x0  }
0x11e: {  	s3 =	rddreg [dreg:$0x2];
	[bflag:$0x3] =	sbarrier.arrive $0xFFFF;
	s2 =	simm.s32 @!p0 $0x1C04  }
0x11f: {  	[timem:s3], [sflag:s2] =	dma.local @!p0 [hbm:s0], s1  }
0x120: {  	s0 =	simm.s32 @!p0 $0x4  }
0x121: {  	_ =	swait.ge @!p0 [sflag:s0], s1  }
0x122: {  	s1 =	ssub.s32 @!p0 $0x0, s1;
	[sflag:s0] =	ssyncset.done @!p0 $0x0  }
0x123: {  	[sflag:s0] =	ssyncadd.s32 @!p0 s1  }
0x124: {  	[bflag:$0x3] =	sbarrier.arrive $0xFFFF  }
0x125: {  	_ =	shalt  }

</sc_bundles>
